<compile_context>
chip_gen: v7x
topology: tpu7x:2x2x1
jax: 0.10.2.dev20260603
libtpu: 0.0.44.dev20260713+nightly
codegen_flags: <defaults>
</compile_context>

<pallas_src>
import functools

import jax
import jax.numpy as jnp
from jax import lax
from jax.experimental import pallas as pl
from jax.experimental.pallas import tpu as pltpu
from jax.experimental.pallas import tpu_sc as plsc

_UB = 32
_NSTREAM = 2
_SUB = _UB // _NSTREAM
_CAND_PAD = 20480
_K = 100


def _urow_body(u_ref, r_ref, urow_ref, squ_ref):
    row = r_ref[pl.ds(u_ref[0] % 8, 1), :]
    urow_ref[...] = jnp.broadcast_to(row, urow_ref.shape)
    squ_ref[0, 0] = jnp.sum(row * row)


def _extract_urow(u_arr, R):
    n_users, n_items = R.shape
    return pl.pallas_call(
        _urow_body,
        grid_spec=pltpu.PrefetchScalarGridSpec(
            num_scalar_prefetch=1,
            grid=(1,),
            in_specs=[pl.BlockSpec((8, n_items), lambda i, u: (u[0] // 8, 0))],
            out_specs=[
                pl.BlockSpec((8, n_items), lambda i, u: (0, 0)),
                pl.BlockSpec(memory_space=pltpu.SMEM),
            ],
        ),
        out_shape=[
            jax.ShapeDtypeStruct((8, n_items), jnp.float32),
            jax.ShapeDtypeStruct((1, 1), jnp.float32),
        ],
    )(u_arr, R)


def _fused_body(u_ref, urow_ref, squ_ref, ra_ref, rb_ref, w_ref, den_ref):
    i = pl.program_id(0)

    @pl.when(i == 0)
    def _():
        w_ref[...] = jnp.zeros_like(w_ref)
        den_ref[0, 0] = 0.0

    norm_u = jnp.sqrt(squ_ref[0, 0])
    urow = urow_ref[...]

    def stream(r_ref, base_row):
        rb = r_ref[...]
        dots8 = lax.dot_general(rb, urow, (((1,), (1,)), ((), ())),
                                preferred_element_type=jnp.float32)
        dots = dots8[:, 0:1]
        sq = jnp.sum(rb * rb, axis=1, keepdims=True)
        sims = dots / (jnp.sqrt(sq) * norm_u + 1e-12)
        rows = base_row + lax.broadcasted_iota(jnp.int32, (_SUB, 1), 0)
        sims = jnp.where(rows == u_ref[0], 0.0, sims)
        wpart = lax.dot_general(sims, rb, (((0,), (0,)), ((), ())),
                                preferred_element_type=jnp.float32)
        return wpart, jnp.sum(sims)

    wa, da = stream(ra_ref, i * _UB)
    wb, db = stream(rb_ref, i * _UB + _SUB)
    w_ref[...] += wa + wb
    den_ref[0, 0] += da + db


def _fused_pass(u_arr, urow, squ, R):
    n_users, n_items = R.shape
    grid = n_users // _UB
    return pl.pallas_call(
        _fused_body,
        grid_spec=pltpu.PrefetchScalarGridSpec(
            num_scalar_prefetch=1,
            grid=(grid,),
            in_specs=[
                pl.BlockSpec((8, n_items), lambda i, u: (0, 0)),
                pl.BlockSpec(memory_space=pltpu.SMEM),
                pl.BlockSpec((_SUB, n_items), lambda i, u: (_NSTREAM * i, 0)),
                pl.BlockSpec((_SUB, n_items), lambda i, u: (_NSTREAM * i + 1, 0)),
            ],
            out_specs=[
                pl.BlockSpec((1, n_items), lambda i, u: (0, 0)),
                pl.BlockSpec(memory_space=pltpu.SMEM),
            ],
        ),
        out_shape=[
            jax.ShapeDtypeStruct((1, n_items), jnp.float32),
            jax.ShapeDtypeStruct((1, 1), jnp.float32),
        ],
    )(u_arr, urow, squ, R, R)


def _sc_gather(cand_pad, weighted):
    info = plsc.get_sparse_core_info()
    nc, ns = info.num_cores, info.num_subcores
    nw = nc * ns
    bpw = _CAND_PAD // nw
    mesh = plsc.VectorSubcoreMesh(core_axis_name="c", subcore_axis_name="s")

    @functools.partial(
        pl.kernel,
        out_type=jax.ShapeDtypeStruct((_CAND_PAD,), jnp.float32),
        mesh=mesh,
        scratch_types=[
            pltpu.VMEM((bpw,), jnp.int32),
            pltpu.VMEM((bpw,), jnp.float32),
            pltpu.SemaphoreType.DMA,
        ],
    )
    def gather_kernel(cand_hbm, w_hbm, out_hbm, idx_v, vals_v, sem):
        wid = lax.axis_index("s") * nc + lax.axis_index("c")
        base = wid * bpw
        pltpu.sync_copy(cand_hbm.at[pl.ds(base, bpw)], idx_v)
        pltpu.async_copy(w_hbm.at[idx_v], vals_v, sem).wait()
        pltpu.sync_copy(vals_v, out_hbm.at[pl.ds(base, bpw)])

    return gather_kernel(cand_pad, weighted)


def _topk_body(g_ref, c_ref, den_ref, vals_ref, items_ref):
    rows, cols = g_ref.shape
    pos = (lax.broadcasted_iota(jnp.int32, (rows, cols), 0) * cols
           + lax.broadcasted_iota(jnp.int32, (rows, cols), 1))
    scores = jnp.where(pos < 20000, g_ref[...], -jnp.inf)
    cands = c_ref[...]
    denom = den_ref[0, 0]
    lane = lax.broadcasted_iota(jnp.int32, (1, 128), 1)

    def step(t, carry):
        sc, va, it = carry
        m = jnp.max(sc)
        p = jnp.min(jnp.where(sc == m, pos, jnp.int32(2**30)))
        item = jnp.max(jnp.where(pos == p, cands, -1))
        val = jnp.where(denom == 0.0, 0.0, m / denom)
        va = jnp.where(lane == t, val, va)
        it = jnp.where(lane == t, item, it)
        sc = jnp.where(pos == p, -jnp.inf, sc)
        return sc, va, it

    _, va, it = lax.fori_loop(
        0, _K, step,
        (scores, jnp.zeros((1, 128), jnp.float32), jnp.zeros((1, 128), jnp.int32)),
    )
    vals_ref[...] = va
    items_ref[...] = it


def _topk(gathered2d, cand2d, denom):
    return pl.pallas_call(
        _topk_body,
        in_specs=[
            pl.BlockSpec(gathered2d.shape, lambda: (0, 0)),
            pl.BlockSpec(cand2d.shape, lambda: (0, 0)),
            pl.BlockSpec(memory_space=pltpu.SMEM),
        ],
        out_specs=[
            pl.BlockSpec((1, 128), lambda: (0, 0)),
            pl.BlockSpec((1, 128), lambda: (0, 0)),
        ],
        out_shape=[
            jax.ShapeDtypeStruct((1, 128), jnp.float32),
            jax.ShapeDtypeStruct((1, 128), jnp.int32),
        ],
    )(gathered2d, cand2d, denom)


def kernel(R, u_idx, cand_idx, k):
    del k
    n_users, n_items = R.shape
    u_arr = jnp.asarray(u_idx, jnp.int32).reshape(1)
    urow, squ = _extract_urow(u_arr, R)
    weighted, denom = _fused_pass(u_arr, urow, squ, R)
    w_flat = weighted.reshape(n_items)
    n_cand = cand_idx.shape[0]
    cand_pad = jnp.concatenate(
        [cand_idx.astype(jnp.int32),
         jnp.zeros((_CAND_PAD - n_cand,), jnp.int32)])
    gathered = _sc_gather(cand_pad, w_flat)
    vals, items = _topk(gathered.reshape(_CAND_PAD // 128, 128),
                        cand_pad.reshape(_CAND_PAD // 128, 128), denom)
    return vals[0, :_K], items[0, :_K]

# --- scband reference (transcript-rebuilt; emitter-appended) ---
"""Pipeline reference for scband-cfuser-55765855371460 (READ-ONLY COPY).

The authoritative reference and input builder live on the scoring server;
editing this copy changes nothing except your own understanding.
"""

import jax, jax.numpy as jnp
import numpy as np

N_USERS = 2048
N_ITEMS = 100000
N_CAND = 20000
K = 100

def setup_inputs(seed: int = 0) -> dict:
    key = jax.random.key(seed)
    k1, k2 = jax.random.split(key)
    # Dense rating matrix (csr_matrix in the original; densified for jax).
    R = jax.random.uniform(k1, (N_USERS, N_ITEMS), dtype=jnp.float32)
    cand_idx = jax.random.randint(k2, (N_CAND,), 0, N_ITEMS, dtype=jnp.int32)
    return {"R": R, "u_idx": 123, "cand_idx": cand_idx, "k": K}

def reference(R, u_idx, cand_idx, k):
    # fit(): cosine similarity row for user u_idx (only the row used in predict),
    # with self-similarity zeroed (np.fill_diagonal(sim, 0.0)).
    norms = jnp.sqrt(jnp.sum(R * R, axis=1))
    u_vec = R[u_idx]
    sims = (R @ u_vec) / (norms * norms[u_idx] + 1e-12)
    sims = sims.at[u_idx].set(0.0)
    # predict(): r_hat_all = (R_train.T dot sim_scores) / sum(sim_scores)
    denom = jnp.sum(sims)
    weighted = R.T @ sims
    r_hat_all = jnp.where(denom == 0.0, jnp.zeros_like(weighted), weighted / denom)
    # Gather candidate scores in one shot, then top-k (argpartition+argsort equiv).
    cand_scores = jnp.take(r_hat_all, cand_idx, axis=0)
    topk_vals, topk_pos = jax.lax.top_k(cand_scores, K)
    topk_vals = topk_vals + jnp.asarray(k - k, dtype=topk_vals.dtype)
    topk_items = jnp.take(cand_idx, topk_pos)
    return topk_vals, topk_items

if __name__ == "__main__":
    import jax
    _d = setup_inputs()
    print(jax.jit(kernel)(*tuple(_d.values())))

</pallas_src>

<mosaic_0001>
#map = affine_map<(d0, d1) -> (0)>
module attributes {stable_mosaic.version = 14 : i64} {
  func.func @gather_kernel(%arg0: i32, %arg1: i32, %arg2: memref<20480xi32, #tpu.memory_space<hbm>>, %arg3: memref<100000xf32, #tpu.memory_space<hbm>>, %arg4: memref<20480xf32, #tpu.memory_space<hbm>>, %arg5: memref<640xi32, #tpu.memory_space<vmem>>, %arg6: memref<640xf32, #tpu.memory_space<vmem>>, %arg7: memref<!tpu.dma_semaphore, #tpu.memory_space<semaphore_mem>>) attributes {dimension_semantics = [#tpu.dimension_semantics<core_parallel>, #tpu.dimension_semantics<subcore_parallel>], iteration_bounds = array<i64: 2, 16>, scalar_prefetch = 0 : i64, scratch_operands = 3 : i64, tpu.core_type = #tpu.core_type<sc_vector_subcore>, window_params = [{transform_indices = #map}, {transform_indices = #map}, {transform_indices = #map}]} {
    %mul3A = arith.constant 2 : i32
    %mul3A_0 = arith.muli %arg1, %mul3A : i32
    %add3A = arith.addi %mul3A_0, %arg0 : i32
    %mul3A_1 = arith.constant 640 : i32
    %mul3A_2 = arith.muli %add3A, %mul3A_1 : i32
    "tpu.region"() ({
      %run_scoped3A = tpu.sem_alloc : memref<!tpu.dma_semaphore, #tpu.memory_space<semaphore_mem>>
      %dma_start3A_5 = tpu.memref_slice %arg2[%mul3A_2] : memref<20480xi32, #tpu.memory_space<hbm>> -> memref<640xi32, #tpu.memory_space<hbm>>
      %dma_start3A_6 = tpu.memref_slice %arg2[%mul3A_2] : memref<20480xi32, #tpu.memory_space<hbm>> -> memref<640xi32, #tpu.memory_space<hbm>>
      tpu.enqueue_dma source(%dma_start3A_6 : memref<640xi32, #tpu.memory_space<hbm>>) target(%arg5 : memref<640xi32, #tpu.memory_space<vmem>>) target_semaphore(%run_scoped3A : memref<!tpu.dma_semaphore, #tpu.memory_space<semaphore_mem>>)
      %dma_wait3A_7 = tpu.memref_slice %arg2[%mul3A_2] : memref<20480xi32, #tpu.memory_space<hbm>> -> memref<640xi32, #tpu.memory_space<hbm>>
      %dma_wait3A_8 = tpu.memref_slice %arg2[%mul3A_2] : memref<20480xi32, #tpu.memory_space<hbm>> -> memref<640xi32, #tpu.memory_space<hbm>>
      tpu.wait_dma2 semaphore(%run_scoped3A : memref<!tpu.dma_semaphore, #tpu.memory_space<semaphore_mem>>) src(%dma_wait3A_8 : memref<640xi32, #tpu.memory_space<hbm>>) dst(%arg5 : memref<640xi32, #tpu.memory_space<vmem>>)
      tpu.yield
    }) : () -> ()
    %dma_start3A = arith.constant 0 : i32
    %dma_start3A_3 = tpu.memref_slice %arg3[%dma_start3A] : memref<100000xf32, #tpu.memory_space<hbm>> -> memref<100000xf32, #tpu.memory_space<hbm>>
    tpu.enqueue_indirect_dma source(%dma_start3A_3 : memref<100000xf32, #tpu.memory_space<hbm>>) target(%arg6 : memref<640xf32, #tpu.memory_space<vmem>>) offsets(%arg5 : memref<640xi32, #tpu.memory_space<vmem>>) semaphore(%arg7 : memref<!tpu.dma_semaphore, #tpu.memory_space<semaphore_mem>>)
    %dma_wait3A = arith.constant 0 : i32
    %dma_wait3A_4 = tpu.memref_slice %arg3[%dma_wait3A] : memref<100000xf32, #tpu.memory_space<hbm>> -> memref<100000xf32, #tpu.memory_space<hbm>>
    tpu.wait_indirect_dma semaphore(%arg7 : memref<!tpu.dma_semaphore, #tpu.memory_space<semaphore_mem>>) src(%dma_wait3A_4 : memref<100000xf32, #tpu.memory_space<hbm>>) dst(%arg6 : memref<640xf32, #tpu.memory_space<vmem>>)
    "tpu.region"() ({
      %run_scoped3A = tpu.sem_alloc : memref<!tpu.dma_semaphore, #tpu.memory_space<semaphore_mem>>
      %dma_start3A_5 = tpu.memref_slice %arg4[%mul3A_2] : memref<20480xf32, #tpu.memory_space<hbm>> -> memref<640xf32, #tpu.memory_space<hbm>>
      %dma_start3A_6 = tpu.memref_slice %arg4[%mul3A_2] : memref<20480xf32, #tpu.memory_space<hbm>> -> memref<640xf32, #tpu.memory_space<hbm>>
      tpu.enqueue_dma source(%arg6 : memref<640xf32, #tpu.memory_space<vmem>>) target(%dma_start3A_6 : memref<640xf32, #tpu.memory_space<hbm>>) target_semaphore(%run_scoped3A : memref<!tpu.dma_semaphore, #tpu.memory_space<semaphore_mem>>)
      %dma_wait3A_7 = tpu.memref_slice %arg4[%mul3A_2] : memref<20480xf32, #tpu.memory_space<hbm>> -> memref<640xf32, #tpu.memory_space<hbm>>
      %dma_wait3A_8 = tpu.memref_slice %arg4[%mul3A_2] : memref<20480xf32, #tpu.memory_space<hbm>> -> memref<640xf32, #tpu.memory_space<hbm>>
      tpu.wait_dma2 semaphore(%run_scoped3A : memref<!tpu.dma_semaphore, #tpu.memory_space<semaphore_mem>>) src(%arg6 : memref<640xf32, #tpu.memory_space<vmem>>) dst(%dma_wait3A_8 : memref<640xf32, #tpu.memory_space<hbm>>)
      tpu.yield
    }) : () -> ()
    return
  }
}

module attributes {stable_mosaic.version = 14 : i64} {
  func.func @_urow_body(%arg0: i32, %arg1: memref<1xi32, #tpu.memory_space<smem>>, %arg2: memref<8x100000xf32, #tpu.memory_space<vmem>>, %arg3: memref<8x100000xf32, #tpu.memory_space<vmem>>, %arg4: memref<1x1xf32, #tpu.memory_space<smem>>) attributes {dimension_semantics = [#tpu.dimension_semantics<arbitrary>], iteration_bounds = array<i64: 1>, scalar_prefetch = 1 : i64, scratch_operands = 0 : i64, tpu.core_type = #tpu.core_type<tc>, window_params = [{transform_indices = @transform_0, window_bounds = array<i64: 8, 100000>}, {pipeline_mode = #tpu.pipeline_mode<synchronous>, transform_indices = @transform_1, window_bounds = array<i64: 8, 100000>}, {transform_indices = @transform_2, window_bounds = array<i64: 1, 1>}]} {
    %get3A = arith.constant 0 : index
    %get3A_0 = memref.load %arg1[%get3A] : memref<1xi32, #tpu.memory_space<smem>>
    %jit3A = arith.constant 8 : i32
    %eq3A = arith.constant 0 : i32
    %eq3A_1 = arith.cmpi eq, %jit3A, %eq3A : i32
    %jit3A_2 = arith.constant 1 : i32
    %select_n3A = arith.select %eq3A_1, %jit3A_2, %jit3A : i32
    %rem3A = arith.remsi %get3A_0, %select_n3A : i32
    %ne3A = arith.constant 0 : i32
    %ne3A_3 = arith.cmpi ne, %rem3A, %ne3A : i32
    %lt3A = arith.constant 0 : i32
    %lt3A_4 = arith.cmpi slt, %rem3A, %lt3A : i32
    %lt3A_5 = arith.constant 0 : i32
    %lt3A_6 = arith.cmpi slt, %select_n3A, %lt3A_5 : i32
    %ne3A_7 = arith.xori %lt3A_4, %lt3A_6 : i1
    %and3A = arith.andi %ne3A_7, %ne3A_3 : i1
    %add3A = arith.addi %rem3A, %select_n3A : i32
    %select_n3A_8 = arith.select %and3A, %add3A, %rem3A : i32
    %get3A_9 = arith.index_cast %select_n3A_8 : i32 to index
    %get3A_10 = arith.constant 0 : index
    %get3A_11 = vector.load %arg2[%get3A_9, %get3A_10] : memref<8x100000xf32, #tpu.memory_space<vmem>>, vector<1x100000xf32>
    %broadcast_in_dim3A = vector.shape_cast %get3A_11 : vector<1x100000xf32> to vector<1x100000xf32>
    %broadcast_in_dim3A_12 = vector.broadcast %broadcast_in_dim3A : vector<1x100000xf32> to vector<8x100000xf32>
    %swap3A = arith.constant 0 : index
    %swap3A_13 = arith.constant 0 : index
    %swap3A_14 = vector.load %arg3[%swap3A, %swap3A_13] : memref<8x100000xf32, #tpu.memory_space<vmem>>, vector<8x100000xf32>
    tpu.vector_store %arg3[%swap3A, %swap3A_13], %broadcast_in_dim3A_12 {strides = array<i32>} : memref<8x100000xf32, #tpu.memory_space<vmem>>, vector<8x100000xf32>,
    %mul3A = arith.mulf %get3A_11, %get3A_11 : vector<1x100000xf32>
    %reduce_sum3A = vector.shape_cast %mul3A : vector<1x100000xf32> to vector<1x1x100000xf32>
    %reduce_sum3A_15 = arith.constant dense<0.000000e+00> : vector<1xf32>
    %reduce_sum3A_16 = vector.multi_reduction <add>, %reduce_sum3A, %reduce_sum3A_15 [1, 2] : vector<1x1x100000xf32> to vector<1xf32>
    %reduce_sum3A_17 = vector.shape_cast %reduce_sum3A_16 : vector<1xf32> to vector<1x1x1xf32>
    %reduce_sum3A_18 = vector.extract %reduce_sum3A_17[0, 0, 0] : f32 from vector<1x1x1xf32>
    %swap3A_19 = arith.constant 0 : index
    %swap3A_20 = arith.constant 0 : index
    %swap3A_21 = memref.load %arg4[%swap3A_19, %swap3A_20] : memref<1x1xf32, #tpu.memory_space<smem>>
    memref.store %reduce_sum3A_18, %arg4[%swap3A_19, %swap3A_20] : memref<1x1xf32, #tpu.memory_space<smem>>
    return
  }
  func.func @transform_0(%arg0: i32, %arg1: memref<1xi32, #tpu.memory_space<smem>>) -> (i32, i32) {
    %get3A = arith.constant 0 : index
    %get3A_0 = memref.load %arg1[%get3A] : memref<1xi32, #tpu.memory_space<smem>>
    %jit3A = arith.constant 8 : i32
    %div3A = arith.divsi %get3A_0, %jit3A : i32
    %sign3A = arith.constant 0 : i32
    %sign3A_1 = arith.cmpi sgt, %get3A_0, %sign3A : i32
    %sign3A_2 = arith.extui %sign3A_1 : i1 to i32
    %sign3A_3 = arith.constant 0 : i32
    %sign3A_4 = arith.cmpi slt, %get3A_0, %sign3A_3 : i32
    %sign3A_5 = arith.extui %sign3A_4 : i1 to i32
    %sign3A_6 = arith.subi %sign3A_2, %sign3A_5 : i32
    %sign3A_7 = arith.constant 0 : i32
    %sign3A_8 = arith.cmpi sgt, %jit3A, %sign3A_7 : i32
    %sign3A_9 = arith.extui %sign3A_8 : i1 to i32
    %sign3A_10 = arith.constant 0 : i32
    %sign3A_11 = arith.cmpi slt, %jit3A, %sign3A_10 : i32
    %sign3A_12 = arith.extui %sign3A_11 : i1 to i32
    %sign3A_13 = arith.subi %sign3A_9, %sign3A_12 : i32
    %ne3A = arith.cmpi ne, %sign3A_6, %sign3A_13 : i32
    %rem3A = arith.remsi %get3A_0, %jit3A : i32
    %ne3A_14 = arith.constant 0 : i32
    %ne3A_15 = arith.cmpi ne, %rem3A, %ne3A_14 : i32
    %and3A = arith.andi %ne3A, %ne3A_15 : i1
    %sub3A = arith.constant 1 : i32
    %sub3A_16 = arith.subi %div3A, %sub3A : i32
    %select_n3A = arith.select %and3A, %sub3A_16, %div3A : i32
    %c0_i32 = arith.constant 0 : i32
    %c0_i32_17 = arith.constant 0 : i32
    return %select_n3A, %c0_i32 : i32, i32
  }
  func.func @transform_1(%arg0: i32, %arg1: memref<1xi32, #tpu.memory_space<smem>>) -> (i32, i32) {
    %c0_i32 = arith.constant 0 : i32
    %c0_i32_0 = arith.constant 0 : i32
    %c0_i32_1 = arith.constant 0 : i32
    return %c0_i32, %c0_i32_0 : i32, i32
  }
  func.func @transform_2(%arg0: i32, %arg1: memref<1xi32, #tpu.memory_space<smem>>) -> (i32, i32) {
    %c0_i32 = arith.constant 0 : i32
    %c0_i32_0 = arith.constant 0 : i32
    %c0_i32_1 = arith.constant 0 : i32
    return %c0_i32, %c0_i32_0 : i32, i32
  }
}

module attributes {stable_mosaic.version = 14 : i64} {
  func.func @_fused_body(%arg0: i32, %arg1: memref<1xi32, #tpu.memory_space<smem>>, %arg2: memref<8x100000xf32, #tpu.memory_space<vmem>>, %arg3: memref<1x1xf32, #tpu.memory_space<smem>>, %arg4: memref<16x100000xf32, #tpu.memory_space<vmem>>, %arg5: memref<16x100000xf32, #tpu.memory_space<vmem>>, %arg6: memref<1x100000xf32, #tpu.memory_space<vmem>>, %arg7: memref<1x1xf32, #tpu.memory_space<smem>>) attributes {dimension_semantics = [#tpu.dimension_semantics<arbitrary>], iteration_bounds = array<i64: 64>, scalar_prefetch = 1 : i64, scratch_operands = 0 : i64, tpu.core_type = #tpu.core_type<tc>, window_params = [{pipeline_mode = #tpu.pipeline_mode<synchronous>, transform_indices = @transform_0, window_bounds = array<i64: 8, 100000>}, {transform_indices = @transform_1, window_bounds = array<i64: 1, 1>}, {transform_indices = @transform_2, window_bounds = array<i64: 16, 100000>}, {transform_indices = @transform_3, window_bounds = array<i64: 16, 100000>}, {pipeline_mode = #tpu.pipeline_mode<synchronous>, transform_indices = @transform_4, window_bounds = array<i64: 1, 100000>}, {transform_indices = @transform_5, window_bounds = array<i64: 1, 1>}]} {
    %eq3A = arith.constant 0 : i32
    %eq3A_0 = arith.cmpi eq, %arg0, %eq3A : i32
    %convert_element_type3A = arith.extui %eq3A_0 : i1 to i32
    %cond3A = arith.constant 0 : i32
    %cond3A_1 = arith.cmpi ne, %convert_element_type3A, %cond3A : i32
    scf.if %cond3A_1 {
      %broadcast_in_dim3A_86 = arith.constant 0.000000e+00 : f32
      %broadcast_in_dim3A_87 = vector.broadcast %broadcast_in_dim3A_86 : f32 to vector<1x100000xf32>
      %swap3A_88 = arith.constant 0 : index
      %swap3A_89 = arith.constant 0 : index
      %swap3A_90 = vector.load %arg6[%swap3A_88, %swap3A_89] : memref<1x100000xf32, #tpu.memory_space<vmem>>, vector<1x100000xf32>
      tpu.vector_store %arg6[%swap3A_88, %swap3A_89], %broadcast_in_dim3A_87 {strides = array<i32>} : memref<1x100000xf32, #tpu.memory_space<vmem>>, vector<1x100000xf32>,
      %swap3A_91 = arith.constant 0.000000e+00 : f32
      %swap3A_92 = arith.constant 0 : index
      %swap3A_93 = arith.constant 0 : index
      %swap3A_94 = memref.load %arg7[%swap3A_92, %swap3A_93] : memref<1x1xf32, #tpu.memory_space<smem>>
      memref.store %swap3A_91, %arg7[%swap3A_92, %swap3A_93] : memref<1x1xf32, #tpu.memory_space<smem>>
    } else {
    }
    %get3A = arith.constant 0 : index
    %get3A_2 = arith.constant 0 : index
    %get3A_3 = memref.load %arg3[%get3A, %get3A_2] : memref<1x1xf32, #tpu.memory_space<smem>>
    %sqrt3A = math.sqrt %get3A_3 : f32
    %get3A_4 = arith.constant 0 : index
    %get3A_5 = arith.constant 0 : index
    %get3A_6 = vector.load %arg2[%get3A_4, %get3A_5] : memref<8x100000xf32, #tpu.memory_space<vmem>>, vector<8x100000xf32>
    %mul3A = arith.constant 32 : i32
    %mul3A_7 = arith.muli %arg0, %mul3A : i32
    %get3A_8 = arith.constant 0 : index
    %get3A_9 = arith.constant 0 : index
    %get3A_10 = vector.load %arg4[%get3A_8, %get3A_9] : memref<16x100000xf32, #tpu.memory_space<vmem>>, vector<16x100000xf32>
    %dot_general3A = arith.constant dense<0.000000e+00> : vector<16x8xf32>
    %dot_general3A_11 = tpu.matmul %get3A_10, %get3A_6, %dot_general3A {dimension_numbers = #tpu.dot_dimension_numbers<[1], [1], [0], [0], [0, 0, 1, 0], [], []>, transpose_lhs_hint = false} : vector<16x100000xf32>, vector<8x100000xf32>, vector<16x8xf32> -> vector<16x8xf32>
    %slice3A = vector.extract_strided_slice %dot_general3A_11 {offsets = [0, 0], sizes = [16, 1], strides = [1, 1]} : vector<16x8xf32> to vector<16x1xf32>
    %mul3A_12 = arith.mulf %get3A_10, %get3A_10 : vector<16x100000xf32>
    %reduce_sum3A = arith.constant dense<0.000000e+00> : vector<16xf32>
    %reduce_sum3A_13 = vector.multi_reduction <add>, %mul3A_12, %reduce_sum3A [1] : vector<16x100000xf32> to vector<16xf32>
    %broadcast_in_dim3A = vector.shape_cast %reduce_sum3A_13 : vector<16xf32> to vector<16x1xf32>
    %sqrt3A_14 = math.sqrt %broadcast_in_dim3A : vector<16x1xf32>
    %mul3A_15 = vector.broadcast %sqrt3A : f32 to vector<16x1xf32>
    %mul3A_16 = arith.mulf %sqrt3A_14, %mul3A_15 : vector<16x1xf32>
    %add3A = arith.constant 9.99999996E-13 : f32
    %add3A_17 = vector.broadcast %add3A : f32 to vector<16x1xf32>
    %add3A_18 = arith.addf %mul3A_16, %add3A_17 : vector<16x1xf32>
    %div3A = arith.divf %slice3A, %add3A_18 : vector<16x1xf32>
    %iota3A = tpu.iota {dimensions = array<i32: 0>} : vector<16x1xi32>
    %add3A_19 = vector.broadcast %mul3A_7 : i32 to vector<16x1xi32>
    %add3A_20 = arith.addi %add3A_19, %iota3A : vector<16x1xi32>
    %get3A_21 = arith.constant 0 : index
    %get3A_22 = memref.load %arg1[%get3A_21] : memref<1xi32, #tpu.memory_space<smem>>
    %eq3A_23 = vector.broadcast %get3A_22 : i32 to vector<16x1xi32>
    %eq3A_24 = arith.cmpi eq, %add3A_20, %eq3A_23 : vector<16x1xi32>
    %jit3A = arith.constant 0.000000e+00 : f32
    %broadcast_in_dim3A_25 = vector.broadcast %jit3A : f32 to vector<16x1xf32>
    %select_n3A = arith.select %eq3A_24, %broadcast_in_dim3A_25, %div3A : vector<16x1xi1>, vector<16x1xf32>
    %dot_general3A_26 = arith.constant dense<0.000000e+00> : vector<1x100000xf32>
    %dot_general3A_27 = tpu.matmul %select_n3A, %get3A_10, %dot_general3A_26 {dimension_numbers = #tpu.dot_dimension_numbers<[0], [0], [1], [1], [0, 1, 1, 1], [], []>, transpose_lhs_hint = false} : vector<16x1xf32>, vector<16x100000xf32>, vector<1x100000xf32> -> vector<1x100000xf32>
    %reduce_sum3A_28 = vector.shape_cast %select_n3A : vector<16x1xf32> to vector<1x16x1xf32>
    %reduce_sum3A_29 = arith.constant dense<0.000000e+00> : vector<1xf32>
    %reduce_sum3A_30 = vector.multi_reduction <add>, %reduce_sum3A_28, %reduce_sum3A_29 [1, 2] : vector<1x16x1xf32> to vector<1xf32>
    %reduce_sum3A_31 = vector.shape_cast %reduce_sum3A_30 : vector<1xf32> to vector<1x1x1xf32>
    %reduce_sum3A_32 = vector.extract %reduce_sum3A_31[0, 0, 0] : f32 from vector<1x1x1xf32>
    %mul3A_33 = arith.constant 32 : i32
    %mul3A_34 = arith.muli %arg0, %mul3A_33 : i32
    %add3A_35 = arith.constant 16 : i32
    %add3A_36 = arith.addi %mul3A_34, %add3A_35 : i32
    %get3A_37 = arith.constant 0 : index
    %get3A_38 = arith.constant 0 : index
    %get3A_39 = vector.load %arg5[%get3A_37, %get3A_38] : memref<16x100000xf32, #tpu.memory_space<vmem>>, vector<16x100000xf32>
    %dot_general3A_40 = arith.constant dense<0.000000e+00> : vector<16x8xf32>
    %dot_general3A_41 = tpu.matmul %get3A_39, %get3A_6, %dot_general3A_40 {dimension_numbers = #tpu.dot_dimension_numbers<[1], [1], [0], [0], [0, 0, 1, 0], [], []>, transpose_lhs_hint = false} : vector<16x100000xf32>, vector<8x100000xf32>, vector<16x8xf32> -> vector<16x8xf32>
    %slice3A_42 = vector.extract_strided_slice %dot_general3A_41 {offsets = [0, 0], sizes = [16, 1], strides = [1, 1]} : vector<16x8xf32> to vector<16x1xf32>
    %mul3A_43 = arith.mulf %get3A_39, %get3A_39 : vector<16x100000xf32>
    %reduce_sum3A_44 = arith.constant dense<0.000000e+00> : vector<16xf32>
    %reduce_sum3A_45 = vector.multi_reduction <add>, %mul3A_43, %reduce_sum3A_44 [1] : vector<16x100000xf32> to vector<16xf32>
    %broadcast_in_dim3A_46 = vector.shape_cast %reduce_sum3A_45 : vector<16xf32> to vector<16x1xf32>
    %sqrt3A_47 = math.sqrt %broadcast_in_dim3A_46 : vector<16x1xf32>
    %mul3A_48 = vector.broadcast %sqrt3A : f32 to vector<16x1xf32>
    %mul3A_49 = arith.mulf %sqrt3A_47, %mul3A_48 : vector<16x1xf32>
    %add3A_50 = arith.constant 9.99999996E-13 : f32
    %add3A_51 = vector.broadcast %add3A_50 : f32 to vector<16x1xf32>
    %add3A_52 = arith.addf %mul3A_49, %add3A_51 : vector<16x1xf32>
    %div3A_53 = arith.divf %slice3A_42, %add3A_52 : vector<16x1xf32>
    %iota3A_54 = tpu.iota {dimensions = array<i32: 0>} : vector<16x1xi32>
    %add3A_55 = vector.broadcast %add3A_36 : i32 to vector<16x1xi32>
    %add3A_56 = arith.addi %add3A_55, %iota3A_54 : vector<16x1xi32>
    %get3A_57 = arith.constant 0 : index
    %get3A_58 = memref.load %arg1[%get3A_57] : memref<1xi32, #tpu.memory_space<smem>>
    %eq3A_59 = vector.broadcast %get3A_58 : i32 to vector<16x1xi32>
    %eq3A_60 = arith.cmpi eq, %add3A_56, %eq3A_59 : vector<16x1xi32>
    %jit3A_61 = arith.constant 0.000000e+00 : f32
    %broadcast_in_dim3A_62 = vector.broadcast %jit3A_61 : f32 to vector<16x1xf32>
    %select_n3A_63 = arith.select %eq3A_60, %broadcast_in_dim3A_62, %div3A_53 : vector<16x1xi1>, vector<16x1xf32>
    %dot_general3A_64 = arith.constant dense<0.000000e+00> : vector<1x100000xf32>
    %dot_general3A_65 = tpu.matmul %select_n3A_63, %get3A_39, %dot_general3A_64 {dimension_numbers = #tpu.dot_dimension_numbers<[0], [0], [1], [1], [0, 1, 1, 1], [], []>, transpose_lhs_hint = false} : vector<16x1xf32>, vector<16x100000xf32>, vector<1x100000xf32> -> vector<1x100000xf32>
    %reduce_sum3A_66 = vector.shape_cast %select_n3A_63 : vector<16x1xf32> to vector<1x16x1xf32>
    %reduce_sum3A_67 = arith.constant dense<0.000000e+00> : vector<1xf32>
    %reduce_sum3A_68 = vector.multi_reduction <add>, %reduce_sum3A_66, %reduce_sum3A_67 [1, 2] : vector<1x16x1xf32> to vector<1xf32>
    %reduce_sum3A_69 = vector.shape_cast %reduce_sum3A_68 : vector<1xf32> to vector<1x1x1xf32>
    %reduce_sum3A_70 = vector.extract %reduce_sum3A_69[0, 0, 0] : f32 from vector<1x1x1xf32>
    %get3A_71 = arith.constant 0 : index
    %get3A_72 = arith.constant 0 : index
    %get3A_73 = vector.load %arg6[%get3A_71, %get3A_72] : memref<1x100000xf32, #tpu.memory_space<vmem>>, vector<1x100000xf32>
    %add3A_74 = arith.addf %dot_general3A_27, %dot_general3A_65 : vector<1x100000xf32>
    %add3A_75 = arith.addf %get3A_73, %add3A_74 : vector<1x100000xf32>
    %swap3A = arith.constant 0 : index
    %swap3A_76 = arith.constant 0 : index
    %swap3A_77 = vector.load %arg6[%swap3A, %swap3A_76] : memref<1x100000xf32, #tpu.memory_space<vmem>>, vector<1x100000xf32>
    tpu.vector_store %arg6[%swap3A, %swap3A_76], %add3A_75 {strides = array<i32>} : memref<1x100000xf32, #tpu.memory_space<vmem>>, vector<1x100000xf32>,
    %get3A_78 = arith.constant 0 : index
    %get3A_79 = arith.constant 0 : index
    %get3A_80 = memref.load %arg7[%get3A_78, %get3A_79] : memref<1x1xf32, #tpu.memory_space<smem>>
    %add3A_81 = arith.addf %reduce_sum3A_32, %reduce_sum3A_70 : f32
    %add3A_82 = arith.addf %get3A_80, %add3A_81 : f32
    %swap3A_83 = arith.constant 0 : index
    %swap3A_84 = arith.constant 0 : index
    %swap3A_85 = memref.load %arg7[%swap3A_83, %swap3A_84] : memref<1x1xf32, #tpu.memory_space<smem>>
    memref.store %add3A_82, %arg7[%swap3A_83, %swap3A_84] : memref<1x1xf32, #tpu.memory_space<smem>>
    return
  }
  func.func @transform_0(%arg0: i32, %arg1: memref<1xi32, #tpu.memory_space<smem>>) -> (i32, i32) {
    %c0_i32 = arith.constant 0 : i32
    %c0_i32_0 = arith.constant 0 : i32
    %c0_i32_1 = arith.constant 0 : i32
    return %c0_i32, %c0_i32_0 : i32, i32
  }
  func.func @transform_1(%arg0: i32, %arg1: memref<1xi32, #tpu.memory_space<smem>>) -> (i32, i32) {
    %c0_i32 = arith.constant 0 : i32
    %c0_i32_0 = arith.constant 0 : i32
    %c0_i32_1 = arith.constant 0 : i32
    return %c0_i32, %c0_i32_0 : i32, i32
  }
  func.func @transform_2(%arg0: i32, %arg1: memref<1xi32, #tpu.memory_space<smem>>) -> (i32, i32) {
    %mul3A = arith.constant 2 : i32
    %mul3A_0 = arith.muli %mul3A, %arg0 : i32
    %c0_i32 = arith.constant 0 : i32
    %c0_i32_1 = arith.constant 0 : i32
    return %mul3A_0, %c0_i32 : i32, i32
  }
  func.func @transform_3(%arg0: i32, %arg1: memref<1xi32, #tpu.memory_space<smem>>) -> (i32, i32) {
    %mul3A = arith.constant 2 : i32
    %mul3A_0 = arith.muli %mul3A, %arg0 : i32
    %add3A = arith.constant 1 : i32
    %add3A_1 = arith.addi %mul3A_0, %add3A : i32
    %c0_i32 = arith.constant 0 : i32
    %c0_i32_2 = arith.constant 0 : i32
    return %add3A_1, %c0_i32 : i32, i32
  }
  func.func @transform_4(%arg0: i32, %arg1: memref<1xi32, #tpu.memory_space<smem>>) -> (i32, i32) {
    %c0_i32 = arith.constant 0 : i32
    %c0_i32_0 = arith.constant 0 : i32
    %c0_i32_1 = arith.constant 0 : i32
    return %c0_i32, %c0_i32_0 : i32, i32
  }
  func.func @transform_5(%arg0: i32, %arg1: memref<1xi32, #tpu.memory_space<smem>>) -> (i32, i32) {
    %c0_i32 = arith.constant 0 : i32
    %c0_i32_0 = arith.constant 0 : i32
    %c0_i32_1 = arith.constant 0 : i32
    return %c0_i32, %c0_i32_0 : i32, i32
  }
}

module attributes {stable_mosaic.version = 14 : i64} {
  func.func @_topk_body(%arg0: memref<160x128xf32, #tpu.memory_space<vmem>>, %arg1: memref<160x128xi32, #tpu.memory_space<vmem>>, %arg2: memref<1x1xf32, #tpu.memory_space<smem>>, %arg3: memref<1x128xf32, #tpu.memory_space<vmem>>, %arg4: memref<1x128xi32, #tpu.memory_space<vmem>>) attributes {dimension_semantics = [], scalar_prefetch = 0 : i64, scratch_operands = 0 : i64, tpu.core_type = #tpu.core_type<tc>} {
    %iota3A = tpu.iota {dimensions = array<i32: 0>} : vector<160x128xi32>
    %mul3A = arith.constant 128 : i32
    %mul3A_0 = vector.broadcast %mul3A : i32 to vector<160x128xi32>
    %mul3A_1 = arith.muli %iota3A, %mul3A_0 : vector<160x128xi32>
    %iota3A_2 = tpu.iota {dimensions = array<i32: 1>} : vector<160x128xi32>
    %add3A = arith.addi %mul3A_1, %iota3A_2 : vector<160x128xi32>
    %lt3A = arith.constant 20000 : i32
    %lt3A_3 = vector.broadcast %lt3A : i32 to vector<160x128xi32>
    %lt3A_4 = arith.cmpi slt, %add3A, %lt3A_3 : vector<160x128xi32>
    %get3A = arith.constant 0 : index
    %get3A_5 = arith.constant 0 : index
    %get3A_6 = vector.load %arg0[%get3A, %get3A_5] : memref<160x128xf32, #tpu.memory_space<vmem>>, vector<160x128xf32>
    %jit3A = arith.constant 0xFF800000 : f32
    %broadcast_in_dim3A = vector.broadcast %jit3A : f32 to vector<160x128xf32>
    %select_n3A = arith.select %lt3A_4, %get3A_6, %broadcast_in_dim3A : vector<160x128xi1>, vector<160x128xf32>
    %get3A_7 = arith.constant 0 : index
    %get3A_8 = arith.constant 0 : index
    %get3A_9 = vector.load %arg1[%get3A_7, %get3A_8] : memref<160x128xi32, #tpu.memory_space<vmem>>, vector<160x128xi32>
    %get3A_10 = arith.constant 0 : index
    %get3A_11 = arith.constant 0 : index
    %get3A_12 = memref.load %arg2[%get3A_10, %get3A_11] : memref<1x1xf32, #tpu.memory_space<smem>>
    %iota3A_13 = tpu.iota {dimensions = array<i32: 1>} : vector<1x128xi32>
    %broadcast_in_dim3A_14 = arith.constant 0.000000e+00 : f32
    %broadcast_in_dim3A_15 = vector.broadcast %broadcast_in_dim3A_14 : f32 to vector<1x128xf32>
    %broadcast_in_dim3A_16 = arith.constant 0 : i32
    %broadcast_in_dim3A_17 = vector.broadcast %broadcast_in_dim3A_16 : i32 to vector<1x128xi32>
    %scan3A = arith.constant 0 : i32
    %scan3A_18 = arith.constant 100 : i32
    %scan3A_19 = arith.addi %scan3A, %scan3A_18 : i32
    %scan3A_20 = arith.constant 1 : i32
    %scan3A_21:3 = scf.for %scan3A_28 = %scan3A to %scan3A_19 step %scan3A_20 iter_args(%scan3A_29 = %select_n3A, %scan3A_30 = %broadcast_in_dim3A_15, %scan3A_31 = %broadcast_in_dim3A_17) -> (vector<160x128xf32>, vector<1x128xf32>, vector<1x128xi32>)  : i32 {
      %reduce_max3A = vector.shape_cast %scan3A_29 : vector<160x128xf32> to vector<1x160x128xf32>
      %reduce_max3A_32 = arith.constant dense<0xFF800000> : vector<1xf32>
      %reduce_max3A_33 = vector.multi_reduction <maximumf>, %reduce_max3A, %reduce_max3A_32 [1, 2] : vector<1x160x128xf32> to vector<1xf32>
      %reduce_max3A_34 = vector.shape_cast %reduce_max3A_33 : vector<1xf32> to vector<1x1x1xf32>
      %reduce_max3A_35 = vector.extract %reduce_max3A_34[0, 0, 0] : f32 from vector<1x1x1xf32>
      %eq3A = vector.broadcast %reduce_max3A_35 : f32 to vector<160x128xf32>
      %eq3A_36 = arith.cmpf oeq, %scan3A_29, %eq3A : vector<160x128xf32>
      %jit3A_37 = arith.constant 1073741824 : i32
      %broadcast_in_dim3A_38 = vector.broadcast %jit3A_37 : i32 to vector<160x128xi32>
      %select_n3A_39 = arith.select %eq3A_36, %add3A, %broadcast_in_dim3A_38 : vector<160x128xi1>, vector<160x128xi32>
      %reduce_min3A = vector.shape_cast %select_n3A_39 : vector<160x128xi32> to vector<1x160x128xi32>
      %reduce_min3A_40 = arith.constant dense<2147483647> : vector<1xi32>
      %reduce_min3A_41 = vector.multi_reduction <minsi>, %reduce_min3A, %reduce_min3A_40 [1, 2] : vector<1x160x128xi32> to vector<1xi32>
      %reduce_min3A_42 = vector.shape_cast %reduce_min3A_41 : vector<1xi32> to vector<1x1x1xi32>
      %reduce_min3A_43 = vector.extract %reduce_min3A_42[0, 0, 0] : i32 from vector<1x1x1xi32>
      %eq3A_44 = vector.broadcast %reduce_min3A_43 : i32 to vector<160x128xi32>
      %eq3A_45 = arith.cmpi eq, %add3A, %eq3A_44 : vector<160x128xi32>
      %jit3A_46 = arith.constant -1 : i32
      %broadcast_in_dim3A_47 = vector.broadcast %jit3A_46 : i32 to vector<160x128xi32>
      %select_n3A_48 = arith.select %eq3A_45, %get3A_9, %broadcast_in_dim3A_47 : vector<160x128xi1>, vector<160x128xi32>
      %reduce_max3A_49 = vector.shape_cast %select_n3A_48 : vector<160x128xi32> to vector<1x160x128xi32>
      %reduce_max3A_50 = arith.constant dense<-2147483648> : vector<1xi32>
      %reduce_max3A_51 = vector.multi_reduction <maxsi>, %reduce_max3A_49, %reduce_max3A_50 [1, 2] : vector<1x160x128xi32> to vector<1xi32>
      %reduce_max3A_52 = vector.shape_cast %reduce_max3A_51 : vector<1xi32> to vector<1x1x1xi32>
      %reduce_max3A_53 = vector.extract %reduce_max3A_52[0, 0, 0] : i32 from vector<1x1x1xi32>
      %eq3A_54 = arith.constant 0.000000e+00 : f32
      %eq3A_55 = arith.cmpf oeq, %get3A_12, %eq3A_54 : f32
      %div3A = arith.divf %reduce_max3A_35, %get3A_12 : f32
      %jit3A_56 = arith.constant 0.000000e+00 : f32
      %select_n3A_57 = arith.select %eq3A_55, %jit3A_56, %div3A : f32
      %eq3A_58 = vector.broadcast %scan3A_28 : i32 to vector<1x128xi32>
      %eq3A_59 = arith.cmpi eq, %iota3A_13, %eq3A_58 : vector<1x128xi32>
      %broadcast_in_dim3A_60 = vector.broadcast %select_n3A_57 : f32 to vector<1x128xf32>
      %select_n3A_61 = arith.select %eq3A_59, %broadcast_in_dim3A_60, %scan3A_30 : vector<1x128xi1>, vector<1x128xf32>
      %eq3A_62 = vector.broadcast %scan3A_28 : i32 to vector<1x128xi32>
      %eq3A_63 = arith.cmpi eq, %iota3A_13, %eq3A_62 : vector<1x128xi32>
      %broadcast_in_dim3A_64 = vector.broadcast %reduce_max3A_53 : i32 to vector<1x128xi32>
      %select_n3A_65 = arith.select %eq3A_63, %broadcast_in_dim3A_64, %scan3A_31 : vector<1x128xi1>, vector<1x128xi32>
      %eq3A_66 = vector.broadcast %reduce_min3A_43 : i32 to vector<160x128xi32>
      %eq3A_67 = arith.cmpi eq, %add3A, %eq3A_66 : vector<160x128xi32>
      %jit3A_68 = arith.constant 0xFF800000 : f32
      %broadcast_in_dim3A_69 = vector.broadcast %jit3A_68 : f32 to vector<160x128xf32>
      %select_n3A_70 = arith.select %eq3A_67, %broadcast_in_dim3A_69, %scan3A_29 : vector<160x128xi1>, vector<160x128xf32>
      scf.yield %select_n3A_70, %select_n3A_61, %select_n3A_65 : vector<160x128xf32>, vector<1x128xf32>, vector<1x128xi32>
    }
    %scan3A_22 = arith.constant 100 : i32
    %swap3A = arith.constant 0 : index
    %swap3A_23 = arith.constant 0 : index
    %swap3A_24 = vector.load %arg3[%swap3A, %swap3A_23] : memref<1x128xf32, #tpu.memory_space<vmem>>, vector<1x128xf32>
    tpu.vector_store %arg3[%swap3A, %swap3A_23], %scan3A_21#1 {strides = array<i32>} : memref<1x128xf32, #tpu.memory_space<vmem>>, vector<1x128xf32>,
    %swap3A_25 = arith.constant 0 : index
    %swap3A_26 = arith.constant 0 : index
    %swap3A_27 = vector.load %arg4[%swap3A_25, %swap3A_26] : memref<1x128xi32, #tpu.memory_space<vmem>>, vector<1x128xi32>
    tpu.vector_store %arg4[%swap3A_25, %swap3A_26], %scan3A_21#2 {strides = array<i32>} : memref<1x128xi32, #tpu.memory_space<vmem>>, vector<1x128xi32>,
    return
  }
}

</mosaic_0001>

<sc_bundles>
// kernel: kernel.6.cloned.1.call-start
scs
__scs_entry_jumppad:
0x0: {  	(pc) =	sbr.rel $0x88, $3  }
0x1: {  	(tag) =	ssettag $0x0;
	lr =	simm.s32 $0x1  }
0x2: {  	[smem:$0x3F9E] =	sst lr;
	_ =	strace $0xD0000000  }
0x3: {  	_ = 	snop  }
0x4: {  	_ = 	snop  }
0x5: {  	_ = 	snop  }
0x6: {  	_ = 	snop  }
0x7: {  	_ = 	snop  }
__scs_overlays_trampoline_lowered:
0x8: {  	[smem:$0x3FAD] =	sst s0  }
0x9: {  	[smem:$0x3FAE] =	sst s1  }
0xa: {  	[smem:$0x3FAF] =	sst s2  }
0xb: {  	[smem:$0x3FB0] =	sst s3  }
0xc: {  	[smem:$0x3FB1] =	sst s4  }
0xd: {  	[smem:$0x3FB2] =	sst s5  }
0xe: {  	[smem:$0x3FB3] =	sst s6  }
0xf: {  	[smem:$0x3FB4] =	sst s7  }
0x10: {  	[smem:$0x3FB5] =	sst s8  }
0x11: {  	[smem:$0x3FB6] =	sst s9;
	s0 =	simm.s32 @!p0 $0x0  }
0x12: {  	s1 =	sld [smem:$0x3F9C];
	s0 =	simm.s32 @p0 $0x1  }
0x13: {  	[smem:$0x3FB7] =	sst s0;
	s0 =	simm.s32 @!p1 $0x0  }
0x14: {  	s2 =	sld [smem:$0x3F9B];
	s0 =	simm.s32 @p1 $0x1  }
0x15: {  	[smem:$0x3FB8] =	sst s0;
	s0 =	simm.s32 @!p2 $0x0  }
0x16: {  	s3 =	sld [smem:$0x3FDB];
	s0 =	simm.s32 @p2 $0x1  }
0x17: {  	s4 =	simm.s32 $0x1BF5;
	[smem:$0x3FBA] =	sst s0  }
0x18: {  	s0 =	sld [smem:$0x3F9D];
	_ =	swait.ge [sflag:s4], $0x0  }
0x19: {  	s7 =	sld [smem:$0x3F9E]  }
0x1a: {  	s8 =	sadd.s32 $0xFFFFE003, lr  }
0x1b: {  	s9 =	sadd.s32 $0xFFFFFEF7, lr;
	s5 =	simm.s32 $0xFFFFFFFF;
	p2 =	slt.u32 s8, $0xFFFFF086  }
0x1c: {  	p1 =	slt.u32 s9, $0xF7A;
	s5 =	simm.s32 @!p2 $0x0  }
0x1d: {  	s5 =	simm.s32 @p1 $0x1;
	p0 =	seq.s32 s7, s2  }
0x1e: {  	s7 =	smul.u32 @!p0 $0xF7A, s2;
	p2 =	seq.s32 @!p0 s5, $0x0  }
0x1f: {  	s9 =	smul.u32 $0xF7A, s1;
	s8 =	simm.s32 @!p0 $0x1BF5;
	p2 =	por !p2, p0  }
0x20: {  	[sflag:s8] =	ssyncset.s32 @!p0 $0xFFFFF086;
	s6 =	sadd.s32 @!p0 s3, s7;
	s7 =	simm.s32 @!p0 $0x108  }
0x21: {  	s3 =	sadd.s32 s3, s9;
	s6 =	sadd.s32 @!p0 $0x88, s6;
	s7 =	simm.s32 @p2 $0x1082  }
0x22: {  	[simem:s7], [sflag:s8] =	dma.local @!p0 [hbm:s6], $0xF7A  }
0x23: {  	s9 =	sor.u32 $0xD0000000, s2;
	s6 =	simm.s32 $0x108;
	_ =	swait.ge @!p0 [sflag:s8], $0x0  }
0x24: {  	s3 =	sadd.s32 $0x88, s3;
	s6 =	simm.s32 @!p1 $0x1082;
	[sflag:s4] =	ssyncset.s32 $0xFFFFF086  }
0x25: {  	[simem:s6], [sflag:s4] =	dma.local [hbm:s3], $0xF7A  }
0x26: {  	[smem:$0x3F9E] =	sst s1;
	(tag) =	ssettag s2;
	_ =	strace s9  }
0x27: {  	s1 =	sld [smem:$0x3FAE]  }
0x28: {  	s2 =	sld [smem:$0x3FAF]  }
0x29: {  	s4 =	sld [smem:$0x3FB1]  }
0x2a: {  	p0 =	seq.s32 s5, $0x0;
	s5 =	sld [smem:$0x3FB2]  }
0x2b: {  	s6 =	sld [smem:$0x3FB3]  }
0x2c: {  	s7 =	sld [smem:$0x3FB4]  }
0x2d: {  	s3 =	simm.s32 $0x108;
	s8 =	sld [smem:$0x3FB5]  }
0x2e: {  	s3 =	simm.s32 @!p0 $0x1082;
	s9 =	sld [smem:$0x3FB6]  }
0x2f: {  	lr =	sadd.s32 s0, s3;
	s0 =	sld [smem:$0x3FAD]  }
0x30: {  	s3 =	sld [smem:$0x3FB0]  }
0x31: {  	[smem:$0x3FB9] =	sst s10  }
0x32: {  	s10 =	sld [smem:$0x3FB7];
	_ =	sdelay $0x3  }
0x33: {  	p0 =	seq.s32 s10, $0x1;
	s10 =	sld [smem:$0x3FB9];
	_ =	sdelay $0x3  }
0x34: {  	[smem:$0x3FB9] =	sst s10  }
0x35: {  	s10 =	sld [smem:$0x3FB8];
	_ =	sdelay $0x3  }
0x36: {  	p1 =	seq.s32 s10, $0x1;
	s10 =	sld [smem:$0x3FB9];
	_ =	sdelay $0x3  }
0x37: {  	[smem:$0x3FB9] =	sst s10  }
0x38: {  	s10 =	sld [smem:$0x3FBA]  }
0x39: {  	_ = 	snop;
	(pc) =	sbr.ind lr, $3  }
0x3a: {  	_ = 	snop  }
0x3b: {  	_ = 	snop  }
0x3c: {  	p2 =	seq.s32 s10, $0x1;
	s10 =	sld [smem:$0x3FB9]  }
0x3d: {  	_ =	shalt  }
0x3e: {  	_ =	shalt  }
0x3f: {  	_ =	shalt  }
0x40: {  	_ =	shalt  }
0x41: {  	_ =	shalt  }
0x42: {  	_ =	shalt  }
0x43: {  	_ =	shalt  }
0x44: {  	_ =	shalt  }
0x45: {  	_ =	shalt  }
0x46: {  	_ =	shalt  }
0x47: {  	_ =	shalt  }
0x48: {  	_ =	shalt  }
0x49: {  	_ =	shalt  }
0x4a: {  	_ =	shalt  }
0x4b: {  	_ =	shalt  }
0x4c: {  	_ =	shalt  }
0x4d: {  	_ =	shalt  }
0x4e: {  	_ =	shalt  }
0x4f: {  	_ =	shalt  }
0x50: {  	_ =	shalt  }
0x51: {  	_ =	shalt  }
0x52: {  	_ =	shalt  }
0x53: {  	_ =	shalt  }
0x54: {  	_ =	shalt  }
0x55: {  	_ =	shalt  }
0x56: {  	_ =	shalt  }
0x57: {  	_ =	shalt  }
0x58: {  	_ =	shalt  }
0x59: {  	_ =	shalt  }
0x5a: {  	_ =	shalt  }
0x5b: {  	_ =	shalt  }
0x5c: {  	_ =	shalt  }
0x5d: {  	_ =	shalt  }
0x5e: {  	_ =	shalt  }
0x5f: {  	_ =	shalt  }
0x60: {  	_ =	shalt  }
0x61: {  	_ =	shalt  }
0x62: {  	_ =	shalt  }
0x63: {  	_ =	shalt  }
0x64: {  	_ =	shalt  }
0x65: {  	_ =	shalt  }
0x66: {  	_ =	shalt  }
0x67: {  	_ =	shalt  }
0x68: {  	_ =	shalt  }
0x69: {  	_ =	shalt  }
0x6a: {  	_ =	shalt  }
0x6b: {  	_ =	shalt  }
0x6c: {  	_ =	shalt  }
0x6d: {  	_ =	shalt  }
0x6e: {  	_ =	shalt  }
0x6f: {  	_ =	shalt  }
0x70: {  	_ =	shalt  }
0x71: {  	_ =	shalt  }
0x72: {  	_ =	shalt  }
0x73: {  	_ =	shalt  }
0x74: {  	_ =	shalt  }
0x75: {  	_ =	shalt  }
0x76: {  	_ =	shalt  }
0x77: {  	_ =	shalt  }
0x78: {  	_ =	shalt  }
0x79: {  	_ =	shalt  }
0x7a: {  	_ =	shalt  }
0x7b: {  	_ =	shalt  }
0x7c: {  	_ =	shalt  }
0x7d: {  	_ =	shalt  }
0x7e: {  	_ =	shalt  }
0x7f: {  	_ =	shalt  }
0x80: {  	_ =	shalt  }
0x81: {  	_ =	shalt  }
0x82: {  	_ =	shalt  }
0x83: {  	_ =	shalt  }
0x84: {  	_ =	shalt  }
0x85: {  	_ =	shalt  }
0x86: {  	_ =	shalt  }
0x87: {  	_ =	shalt  }
.Lfunc_end0:
.L_simem_size_0:
called_computation_lowered:
.L_overlay_start_0:
0x88: {  	s2 =	sld [smem:$0x3FD9]  }
0x89: {  	s3 =	sld [smem:$0x3FFE];
	_ =	sdelay $0x1  }
0x8a: {  	s1 =	srdreg.scid  }
0x8b: {  	s0 =	sand.u32 $0x1, s1  }
0x8c: {  	s16 =	sshll.u32 s0, $0xA;
	s2 =	sadd.s32 s3, s2  }
0x8d: {  	s2 =	sadd.s32 s2, s16  }
0x8e: {  	[smem:$0x3FC5] =	sst s2  }
0x8f: {  	_ = 	snop  }
0x90: {  	(tm) =	ssettm $0x1  }
0x91: {  	s17 =	sld [smem:$0x3FFB];
	_ =	sdelay $0x3  }
0x92: {  	_ =	strace s17  }
0x93: {  	s2 =	sld [smem:$0x3FFC];
	_ =	sdelay $0x3  }
0x94: {  	_ =	strace s2  }
0x95: {  	s2 =	sld [smem:$0x3FFD];
	_ =	sdelay $0x3  }
0x96: {  	_ =	strace s2  }
0x97: {  	_ =	strace $0x8FFFFFFF  }
0x98: {  	s18 =	sld [smem:$0x3FDB];
	_ =	sdelay $0x1  }
0x99: {  	s19 =	simm.s32 $_scs_section_size  }
0x9a: {  	s4 =	simm.s32 $_size__tile_overlayer_lowered;
	s5 =	simm.s32 $_tile_overlayer_lowered  }
0x9b: {  	s22 =	simm.s32 $0x1BFF;
	s21 =	sshll.u32 s5, $0x1;
	s2 =	sadd.s32 s19, s18  }
0x9c: {  	s6 =	simm.s32 $0x0;
	s20 =	sshll.u32 s4, $0x1;
	s4 =	sadd.s32 s21, s2  }
0x9d: {  	[timem:s6], [sflag:s22] =	dma.local [hbm:s4], s20  }
0x9e: {  	_ =	swait.ge [sflag:s22], s20  }
0x9f: {  	s3 =	ssub.s32 $0x0, s20;
	[sflag:s22] =	ssyncset.done $0x0  }
0xa0: {  	[sflag:s22] =	ssyncadd.s32 s3;
	_ =	sdelay $0x1  }
0xa1: {  	s23 =	simm.s32 $0x1B8B  }
0xa2: {  	_ =	swait.ge [sflag:s23], $0x1  }
0xa3: {  	[sflag:s23] =	ssyncset.done $0x0  }
0xa4: {  	s25 =	simm.s32 $0x1B8E;
	s24 =	sld [smem:$0x3FFE];
	[sflag:s23] =	ssyncadd.s32 $0xFFFFFFFF  }
0xa5: {  	s26 =	simm.s32 $execute0_lowered;
	[smem:$0x3FD2] =	sst s25  }
0xa6: {  	s4 =	sshll.u32 s26, $0x1;
	_ =	strace $0x80000046;
	[dreg:$0x1] =	wrdreg $0xFFFFFFFF  }
0xa7: {  	s28 =	simm.s32 $_size_execute0_lowered;
	s2 =	sadd.s32 s2, s4;
	[dreg:$0x0] =	wrdreg $0x0  }
0xa8: {  	s4 =	sshll.u32 s28, $0x1;
	[dreg:$0x2] =	wrdreg s2  }
0xa9: {  	[dreg:$0x3] =	wrdreg s4  }
0xaa: {  	[dreg:$0x4] =	wrdreg $0xC0  }
0xab: {  	_ =	task [dreg:s6], $0x5FFFF  }
0xac: {  	[dreg:$0x1] =	wrdreg $0xFFFFFFFF  }
0xad: {  	[dreg:$0x0] =	wrdreg $0x60  }
0xae: {  	[dreg:$0x2] =	wrdreg s24  }
0xaf: {  	[dreg:$0x3] =	wrdreg $0x9  }
0xb0: {  	_ =	task.clear_ibuf [dreg:s6], $0x4FFFF;
	_ =	strace $0x90000046  }
0xb1: {  	s29 =	simm.s32 $0x9;
	_ =	strace $0x80000048  }
0xb2: {  	_ =	swait.ge [sflag:s29], $0x1  }
0xb3: {  	[sflag:s29] =	ssyncadd.s32 $0xFFFFFFFF  }
0xb4: {  	_ =	strace $0x90000048  }
0xb5: {  	_ =	sfence  }
0xb6: {  	s30 =	sld [smem:$0x0];
	_ =	sdelay $0x2  }
0xb7: {  	s31 =	sshll.u32 s1, $0xD;
	s1 =	sshrl.u32 s1, $0x2  }
0xb8: {  	s3 =	sand.u32 $0x4000, s31;
	s1 =	sadd.s32 s1, s30  }
0xb9: {  	s0 =	sor.u32 s3, s0;
	s1 =	sshll.u32 s1, $0x11  }
0xba: {  	s0 =	sor.u32 s1, s0  }
0xbb: {  	s0 =	sadd.s32 $0x8F2B, s0  }
0xbc: {  	[sflag:s0] =	ssyncadd.remote.s32 $0x1  }
0xbd: {  	_ =	sfence.sel $0xFFFF  }
0xbe: {  	[dreg:$0x0] =	wrdreg $0xFFFFFFFF;
	(pc) =	sbr.abs _section_cstart, $3  }
0xbf: {  	[dreg:$0x1] =	wrdreg $0xFFFFFFFF  }
0xc0: {  	_ =	task.clear_ibuf [dreg:s6], $0x2FFFF;
	_ =	strace $0x9FFFFFFF  }
0xc1: {  	(tm) =	ssettm $0x7FFFFFFF  }
tec
execute0_lowered:
.L_overlay_start_1:
0x0: {  	(tag) =	ssettag $0x1  }
0x1: {  	s1 =	srdreg.scid;
	s0 =	stileid.u32  }
0x2: {  	s6 =	sand.u32 $0x1, s1;
	s31 =	sshll.u32 s0, $0x1  }
0x3: {  	s1 =	sor.u32 s6, s31  }
0x4: {  	s5 =	rddreg [dreg:$0x0];
	s2 =	simm.s32 $0x0;
	s3 =	smul.u32 $0x50, s1  }
0x5: {  	[smem:$0x7FF] =	sst s2  }
0x6: {  	s9 =	ssub.s32 $0x2, s6;
	s1 =	rddreg [dreg:$0x1];
	s8 =	sadd.s32 s3, s5  }
0x7: {  	_ =	strace $0x80000047;
	s3 =	simm.s32 $0x2;
	s4 =	sadd.s32 $0x1870E00, s8  }
0x8: {  	[tilespmem:s2], [sflag:$0x2] =	stream.linear.gather [hbm4b:s4+s2], $0x280, $0x38;
	[tilespmem:$0x500] =	vst v63  }
0x9: {  	s7 =	simm.s32 $0x1;
	s10 =	sshrl.u32 s9, $0x1;
	_ =	swait.ge [sflag:s3], $0x280  }
0xa: {  	s6 =	simm.s32 $0x280;
	s9 =	ssub.s32 s9, s10;
	[sflag:s3] =	ssyncset.done $0x0  }
0xb: {  	s5 =	sadd.s32 $0xE00, s5;
	s9 =	smax.u32 s9, $0x1;
	[sflag:s3] =	ssyncadd.s32 $0xFFFFFD80  }
0xc: {  	[tilespmem:s6], [sflag:$0x1] =	stream.indirect.gather [hbm4b:s5+s6], $0x1, s2, s6, $0xb8;
	[tilespmem:$0x500] =	vst v63  }
0xd: {  	p0 =	sne.s32 s9, $0x1;
	_ =	swait.ge [sflag:s7], $0x280  }
.Ltmp0:
0xe: {  	[sflag:s7] =	ssyncset.done $0x0;
	(pc) =	sbr.rel @!p0 .LBB2_2-.Ltmp0, $4  }
0xf: {  	s8 =	sadd.s32 $0x4000, s8;
	[sflag:s7] =	ssyncadd.s32 $0xFFFFFD80  }
0x10: {  	[hbm4b:s8+s2] =	stream.linear.scatter [tilespmem:s6], [sflag:$0x2], $0x280, $0x38;
	[tilespmem:$0x500] =	vst v63  }
0x11: {  	_ =	swait.ge [sflag:s3], $0x280  }
0x12: {  	s9 =	sadd.s32 $0xFFFFFFFF, s9;
	[sflag:s3] =	ssyncset.done $0x0  }
.LBB2_1:
0x13: {  	p0 =	sne.s32 s9, $0x1;
	s9 =	sadd.s32 $0xFFFFFFFF, s9;
	[sflag:s3] =	ssyncadd.s32 $0xFFFFFD80  }
0x14: {  	[tilespmem:s2], [sflag:$0x2] =	stream.linear.gather [hbm4b:s4+s2], $0x280, $0x38;
	[tilespmem:$0x500] =	vst v63  }
0x15: {  	_ =	swait.ge [sflag:s3], $0x280  }
0x16: {  	[sflag:s3] =	ssyncset.done $0x0  }
0x17: {  	[sflag:s3] =	ssyncadd.s32 $0xFFFFFD80  }
0x18: {  	[tilespmem:s6], [sflag:$0x1] =	stream.indirect.gather [hbm4b:s5+s6], $0x1, s2, s6, $0xb8;
	[tilespmem:$0x500] =	vst v63  }
0x19: {  	_ =	swait.ge [sflag:s7], $0x280  }
.Ltmp1:
0x1a: {  	[sflag:s7] =	ssyncset.done $0x0;
	(pc) =	sbr.rel @p0 .LBB2_1-.Ltmp1, $4  }
0x1b: {  	[sflag:s7] =	ssyncadd.s32 $0xFFFFFD80  }
0x1c: {  	[hbm4b:s8+s2] =	stream.linear.scatter [tilespmem:s6], [sflag:$0x2], $0x280, $0x38;
	[tilespmem:$0x500] =	vst v63  }
0x1d: {  	_ =	swait.ge [sflag:s3], $0x280  }
0x1e: {  	[sflag:s3] =	ssyncset.done $0x0  }
.LBB2_2:
0x1f: {  	[sflag:s3] =	ssyncadd.s32 $0xFFFFFD80  }
0x20: {  	_ =	sfence.sel $0x180000  }
0x21: {  	[bflag:$0x0] =	sbarrier.arrive $0xFFFF  }
0x22: {  	p0 =	sne.s32 s0, $0x0;
	_ =	strace $0x90000047  }
0x23: {  	s0 =	sadd.s32 @!p0 $0x100000, s1;
	[bflag:$0x2] =	sbarrier.arrive $0xFFFF  }
0x24: {  	[sflag:s0] =	ssyncadd.tile.s32 @!p0 $0x1;
	_ =	shalt  }
.Lfunc_end2:
_tile_overlayer_lowered:
.L_overlay_start_2:
0x25: {  	(tag) =	ssettag $0x2  }
0x26: {  	s0 =	rddreg [dreg:$0x0];
	s2 =	stileid.u32  }
0x27: {  	s1 =	rddreg [dreg:$0x1];
	p0 =	sne.s32 s2, $0x0  }
0x28: {  	s3 =	rddreg [dreg:$0x2];
	[bflag:$0x3] =	sbarrier.arrive $0xFFFF;
	s2 =	simm.s32 @!p0 $0x1C02  }
0x29: {  	[timem:s3], [sflag:s2] =	dma.local @!p0 [hbm:s0], s1  }
0x2a: {  	s0 =	simm.s32 @!p0 $0x2  }
0x2b: {  	_ =	swait.ge @!p0 [sflag:s0], s1  }
0x2c: {  	s1 =	ssub.s32 @!p0 $0x0, s1;
	[sflag:s0] =	ssyncset.done @!p0 $0x0  }
0x2d: {  	[sflag:s0] =	ssyncadd.s32 @!p0 s1  }
0x2e: {  	[bflag:$0x3] =	sbarrier.arrive $0xFFFF  }
0x2f: {  	_ =	shalt  }

</sc_bundles>
